<compile_context>
chip_gen: v7x
topology: tpu7x:2x2x1
jax: 0.10.2.dev20260603
libtpu: 0.0.44.dev20260713+nightly
codegen_flags: <defaults>
</compile_context>

<pallas_src>
import functools

import jax
import jax.numpy as jnp
from jax import lax
from jax.experimental import pallas as pl
from jax.experimental.pallas import tpu as pltpu
from jax.experimental.pallas import tpu_sc as plsc

VOCAB = 100000
DIM = 64
PAD_DIM = 128
BATCH = 4096
SEQ = 50
NUM_WORKERS = 32
BATCH_PER_W = BATCH // NUM_WORKERS
GROUP = 2
NBUF = 8
NUM_GROUPS = BATCH_PER_W // GROUP


def _make_kernel():
    mesh = plsc.VectorSubcoreMesh(core_axis_name="c", subcore_axis_name="s")

    @functools.partial(
        pl.kernel,
        mesh=mesh,
        out_type=jax.ShapeDtypeStruct((BATCH, SEQ, PAD_DIM), jnp.float32),
        scratch_types=[
            pltpu.VMEM((BATCH_PER_W, SEQ), jnp.int32),
            pltpu.VMEM((NBUF, GROUP, SEQ, PAD_DIM), jnp.float32),
            pltpu.SemaphoreType.DMA,
            pltpu.SemaphoreType.DMA,
        ],
        compiler_params=pltpu.CompilerParams(use_tc_tiling_on_sc=True),
    )
    def k(idx_hbm, table_hbm, out_hbm, idx_v, rows_v, sem_g, sem_s):
        wid = lax.axis_index("s") * 2 + lax.axis_index("c")
        base = wid * BATCH_PER_W

        pltpu.sync_copy(idx_hbm.at[pl.ds(base, BATCH_PER_W)], idx_v)

        def gather_descs(g):
            return [
                pltpu.make_async_copy(
                    table_hbm.at[idx_v.at[g * GROUP + j]],
                    rows_v.at[g % NBUF, j],
                    sem_g,
                )
                for j in range(GROUP)
            ]

        def store_desc(g):
            return pltpu.make_async_copy(
                rows_v.at[g % NBUF],
                out_hbm.at[pl.ds(base + g * GROUP, GROUP)],
                sem_s,
            )

        for g0 in range(4):
            for d in gather_descs(g0):
                d.start()

        def group_wait(g):
            pltpu.make_async_copy(
                out_hbm.at[pl.ds(0, GROUP)],
                rows_v.at[g % NBUF],
                sem_g,
            ).wait()

        def body(g, carry):
            group_wait(g)
            store_desc(g).start()

            @pl.when(g >= 4)
            def _():
                store_desc(g - 4).wait()

            @pl.when(g < NUM_GROUPS - 4)
            def _():
                for d in gather_descs(g + 4):
                    d.start()

            return carry

        lax.fori_loop(0, NUM_GROUPS, body, 0)
        for gt in range(4):
            store_desc(NUM_GROUPS - 4 + gt).wait()

    return k


_gather_kernel = _make_kernel()


def kernel(indices, input_embeds):
    table_padded = jnp.pad(input_embeds, ((0, 0), (0, PAD_DIM - DIM)))
    out = _gather_kernel(indices.astype(jnp.int32), table_padded)
    return out[:, :, :DIM]

# --- scband reference (transcript-rebuilt; emitter-appended) ---
"""Pipeline reference for scband-base-embedding-model-58033598103677 (READ-ONLY COPY).

The authoritative reference and input builder live on the scoring server;
editing this copy changes nothing except your own understanding.
"""

import jax, jax.numpy as jnp
import numpy as np

VOCAB_SIZE = 100000
EMBED_DIM = 64

def setup_inputs(seed: int = 0) -> dict:
    key = jax.random.key(seed)
    k_idx, k_tab = jax.random.split(key)
    indices = jax.random.randint(k_idx, (4096, 50), 0, VOCAB_SIZE, dtype=jnp.int64 if jax.config.jax_enable_x64 else jnp.int32)
    bound = 0.5 / EMBED_DIM
    input_embeds = jax.random.uniform(k_tab, (VOCAB_SIZE, EMBED_DIM), dtype=jnp.float32, minval=-bound, maxval=bound)
    return {"indices": indices, "input_embeds": input_embeds}

def reference(indices, input_embeds):
    # Faithful embedding lookup: self.input_embeds(indices)
    return jnp.take(input_embeds, indices, axis=0)

if __name__ == "__main__":
    import jax
    _d = setup_inputs()
    print(jax.jit(kernel)(*tuple(_d.values())))

</pallas_src>

<mosaic_0001>
#map = affine_map<(d0, d1) -> (0, 0)>
#map1 = affine_map<(d0, d1) -> (0, 0, 0)>
module attributes {stable_mosaic.version = 14 : i64} {
  func.func @k(%arg0: i32, %arg1: i32, %arg2: memref<4096x50xi32, #tpu.memory_space<hbm>>, %arg3: memref<100000x128xf32, #tpu.memory_space<hbm>>, %arg4: memref<4096x50x128xf32, #tpu.memory_space<hbm>>, %arg5: memref<128x50xi32, #tpu.memory_space<vmem>>, %arg6: memref<8x2x50x128xf32, #tpu.memory_space<vmem>>, %arg7: memref<!tpu.dma_semaphore, #tpu.memory_space<semaphore_mem>>, %arg8: memref<!tpu.dma_semaphore, #tpu.memory_space<semaphore_mem>>) attributes {dimension_semantics = [#tpu.dimension_semantics<core_parallel>, #tpu.dimension_semantics<subcore_parallel>], iteration_bounds = array<i64: 2, 16>, scalar_prefetch = 0 : i64, scratch_operands = 4 : i64, tpu.core_type = #tpu.core_type<sc_vector_subcore>, window_params = [{transform_indices = #map}, {transform_indices = #map}, {transform_indices = #map1}]} {
    %mul3A = arith.constant 2 : i32
    %mul3A_0 = arith.muli %arg1, %mul3A : i32
    %add3A = arith.addi %mul3A_0, %arg0 : i32
    %mul3A_1 = arith.constant 128 : i32
    %mul3A_2 = arith.muli %add3A, %mul3A_1 : i32
    "tpu.region"() ({
      %run_scoped3A = tpu.sem_alloc : memref<!tpu.dma_semaphore, #tpu.memory_space<semaphore_mem>>
      %dma_start3A_186 = arith.constant 0 : i32
      %dma_start3A_187 = tpu.memref_slice %arg2[%mul3A_2, %dma_start3A_186] : memref<4096x50xi32, #tpu.memory_space<hbm>> -> memref<128x50xi32, #tpu.memory_space<hbm>>
      %dma_start3A_188 = arith.constant 0 : i32
      %dma_start3A_189 = tpu.memref_slice %arg2[%mul3A_2, %dma_start3A_188] : memref<4096x50xi32, #tpu.memory_space<hbm>> -> memref<128x50xi32, #tpu.memory_space<hbm>>
      tpu.enqueue_dma source(%dma_start3A_189 : memref<128x50xi32, #tpu.memory_space<hbm>>) target(%arg5 : memref<128x50xi32, #tpu.memory_space<vmem>>) target_semaphore(%run_scoped3A : memref<!tpu.dma_semaphore, #tpu.memory_space<semaphore_mem>>)
      %dma_wait3A_190 = arith.constant 0 : i32
      %dma_wait3A_191 = tpu.memref_slice %arg2[%mul3A_2, %dma_wait3A_190] : memref<4096x50xi32, #tpu.memory_space<hbm>> -> memref<128x50xi32, #tpu.memory_space<hbm>>
      %dma_wait3A_192 = arith.constant 0 : i32
      %dma_wait3A_193 = tpu.memref_slice %arg2[%mul3A_2, %dma_wait3A_192] : memref<4096x50xi32, #tpu.memory_space<hbm>> -> memref<128x50xi32, #tpu.memory_space<hbm>>
      tpu.wait_dma2 semaphore(%run_scoped3A : memref<!tpu.dma_semaphore, #tpu.memory_space<semaphore_mem>>) src(%dma_wait3A_193 : memref<128x50xi32, #tpu.memory_space<hbm>>) dst(%arg5 : memref<128x50xi32, #tpu.memory_space<vmem>>)
      tpu.yield
    }) : () -> ()
    %dma_start3A = arith.constant 0 : i32
    %dma_start3A_3 = arith.constant 0 : i32
    %dma_start3A_4 = arith.constant 0 : i32
    %dma_start3A_5 = arith.constant 0 : i32
    %dma_start3A_6 = arith.constant 0 : i32
    %dma_start3A_7 = tpu.memref_slice %arg6[%dma_start3A_3, %dma_start3A_4, %dma_start3A_5, %dma_start3A_6] : memref<8x2x50x128xf32, #tpu.memory_space<vmem>> -> memref<1x1x50x128xf32, #tpu.memory_space<vmem>>
    %dma_start3A_8 = tpu.memref_squeeze %dma_start3A_7 : memref<1x1x50x128xf32, #tpu.memory_space<vmem>> -> memref<50x128xf32, #tpu.memory_space<vmem>>
    %dma_start3A_9 = arith.constant 0 : i32
    %dma_start3A_10 = tpu.memref_slice %arg5[%dma_start3A, %dma_start3A_9] : memref<128x50xi32, #tpu.memory_space<vmem>> -> memref<1x50xi32, #tpu.memory_space<vmem>>
    %dma_start3A_11 = tpu.memref_squeeze %dma_start3A_10 : memref<1x50xi32, #tpu.memory_space<vmem>> -> memref<50xi32, #tpu.memory_space<vmem>>
    %dma_start3A_12 = arith.constant 0 : i32
    %dma_start3A_13 = arith.constant 0 : i32
    %dma_start3A_14 = tpu.memref_slice %arg3[%dma_start3A_12, %dma_start3A_13] : memref<100000x128xf32, #tpu.memory_space<hbm>> -> memref<100000x128xf32, #tpu.memory_space<hbm>>
    tpu.enqueue_indirect_dma source(%dma_start3A_14 : memref<100000x128xf32, #tpu.memory_space<hbm>>) target(%dma_start3A_8 : memref<50x128xf32, #tpu.memory_space<vmem>>) offsets(%dma_start3A_11 : memref<50xi32, #tpu.memory_space<vmem>>) semaphore(%arg7 : memref<!tpu.dma_semaphore, #tpu.memory_space<semaphore_mem>>)
    %dma_start3A_15 = arith.constant 1 : i32
    %dma_start3A_16 = arith.constant 0 : i32
    %dma_start3A_17 = arith.constant 1 : i32
    %dma_start3A_18 = arith.constant 0 : i32
    %dma_start3A_19 = arith.constant 0 : i32
    %dma_start3A_20 = tpu.memref_slice %arg6[%dma_start3A_16, %dma_start3A_17, %dma_start3A_18, %dma_start3A_19] : memref<8x2x50x128xf32, #tpu.memory_space<vmem>> -> memref<1x1x50x128xf32, #tpu.memory_space<vmem>>
    %dma_start3A_21 = tpu.memref_squeeze %dma_start3A_20 : memref<1x1x50x128xf32, #tpu.memory_space<vmem>> -> memref<50x128xf32, #tpu.memory_space<vmem>>
    %dma_start3A_22 = arith.constant 0 : i32
    %dma_start3A_23 = tpu.memref_slice %arg5[%dma_start3A_15, %dma_start3A_22] : memref<128x50xi32, #tpu.memory_space<vmem>> -> memref<1x50xi32, #tpu.memory_space<vmem>>
    %dma_start3A_24 = tpu.memref_squeeze %dma_start3A_23 : memref<1x50xi32, #tpu.memory_space<vmem>> -> memref<50xi32, #tpu.memory_space<vmem>>
    %dma_start3A_25 = arith.constant 0 : i32
    %dma_start3A_26 = arith.constant 0 : i32
    %dma_start3A_27 = tpu.memref_slice %arg3[%dma_start3A_25, %dma_start3A_26] : memref<100000x128xf32, #tpu.memory_space<hbm>> -> memref<100000x128xf32, #tpu.memory_space<hbm>>
    tpu.enqueue_indirect_dma source(%dma_start3A_27 : memref<100000x128xf32, #tpu.memory_space<hbm>>) target(%dma_start3A_21 : memref<50x128xf32, #tpu.memory_space<vmem>>) offsets(%dma_start3A_24 : memref<50xi32, #tpu.memory_space<vmem>>) semaphore(%arg7 : memref<!tpu.dma_semaphore, #tpu.memory_space<semaphore_mem>>)
    %dma_start3A_28 = arith.constant 2 : i32
    %dma_start3A_29 = arith.constant 1 : i32
    %dma_start3A_30 = arith.constant 0 : i32
    %dma_start3A_31 = arith.constant 0 : i32
    %dma_start3A_32 = arith.constant 0 : i32
    %dma_start3A_33 = tpu.memref_slice %arg6[%dma_start3A_29, %dma_start3A_30, %dma_start3A_31, %dma_start3A_32] : memref<8x2x50x128xf32, #tpu.memory_space<vmem>> -> memref<1x1x50x128xf32, #tpu.memory_space<vmem>>
    %dma_start3A_34 = tpu.memref_squeeze %dma_start3A_33 : memref<1x1x50x128xf32, #tpu.memory_space<vmem>> -> memref<50x128xf32, #tpu.memory_space<vmem>>
    %dma_start3A_35 = arith.constant 0 : i32
    %dma_start3A_36 = tpu.memref_slice %arg5[%dma_start3A_28, %dma_start3A_35] : memref<128x50xi32, #tpu.memory_space<vmem>> -> memref<1x50xi32, #tpu.memory_space<vmem>>
    %dma_start3A_37 = tpu.memref_squeeze %dma_start3A_36 : memref<1x50xi32, #tpu.memory_space<vmem>> -> memref<50xi32, #tpu.memory_space<vmem>>
    %dma_start3A_38 = arith.constant 0 : i32
    %dma_start3A_39 = arith.constant 0 : i32
    %dma_start3A_40 = tpu.memref_slice %arg3[%dma_start3A_38, %dma_start3A_39] : memref<100000x128xf32, #tpu.memory_space<hbm>> -> memref<100000x128xf32, #tpu.memory_space<hbm>>
    tpu.enqueue_indirect_dma source(%dma_start3A_40 : memref<100000x128xf32, #tpu.memory_space<hbm>>) target(%dma_start3A_34 : memref<50x128xf32, #tpu.memory_space<vmem>>) offsets(%dma_start3A_37 : memref<50xi32, #tpu.memory_space<vmem>>) semaphore(%arg7 : memref<!tpu.dma_semaphore, #tpu.memory_space<semaphore_mem>>)
    %dma_start3A_41 = arith.constant 3 : i32
    %dma_start3A_42 = arith.constant 1 : i32
    %dma_start3A_43 = arith.constant 1 : i32
    %dma_start3A_44 = arith.constant 0 : i32
    %dma_start3A_45 = arith.constant 0 : i32
    %dma_start3A_46 = tpu.memref_slice %arg6[%dma_start3A_42, %dma_start3A_43, %dma_start3A_44, %dma_start3A_45] : memref<8x2x50x128xf32, #tpu.memory_space<vmem>> -> memref<1x1x50x128xf32, #tpu.memory_space<vmem>>
    %dma_start3A_47 = tpu.memref_squeeze %dma_start3A_46 : memref<1x1x50x128xf32, #tpu.memory_space<vmem>> -> memref<50x128xf32, #tpu.memory_space<vmem>>
    %dma_start3A_48 = arith.constant 0 : i32
    %dma_start3A_49 = tpu.memref_slice %arg5[%dma_start3A_41, %dma_start3A_48] : memref<128x50xi32, #tpu.memory_space<vmem>> -> memref<1x50xi32, #tpu.memory_space<vmem>>
    %dma_start3A_50 = tpu.memref_squeeze %dma_start3A_49 : memref<1x50xi32, #tpu.memory_space<vmem>> -> memref<50xi32, #tpu.memory_space<vmem>>
    %dma_start3A_51 = arith.constant 0 : i32
    %dma_start3A_52 = arith.constant 0 : i32
    %dma_start3A_53 = tpu.memref_slice %arg3[%dma_start3A_51, %dma_start3A_52] : memref<100000x128xf32, #tpu.memory_space<hbm>> -> memref<100000x128xf32, #tpu.memory_space<hbm>>
    tpu.enqueue_indirect_dma source(%dma_start3A_53 : memref<100000x128xf32, #tpu.memory_space<hbm>>) target(%dma_start3A_47 : memref<50x128xf32, #tpu.memory_space<vmem>>) offsets(%dma_start3A_50 : memref<50xi32, #tpu.memory_space<vmem>>) semaphore(%arg7 : memref<!tpu.dma_semaphore, #tpu.memory_space<semaphore_mem>>)
    %dma_start3A_54 = arith.constant 4 : i32
    %dma_start3A_55 = arith.constant 2 : i32
    %dma_start3A_56 = arith.constant 0 : i32
    %dma_start3A_57 = arith.constant 0 : i32
    %dma_start3A_58 = arith.constant 0 : i32
    %dma_start3A_59 = tpu.memref_slice %arg6[%dma_start3A_55, %dma_start3A_56, %dma_start3A_57, %dma_start3A_58] : memref<8x2x50x128xf32, #tpu.memory_space<vmem>> -> memref<1x1x50x128xf32, #tpu.memory_space<vmem>>
    %dma_start3A_60 = tpu.memref_squeeze %dma_start3A_59 : memref<1x1x50x128xf32, #tpu.memory_space<vmem>> -> memref<50x128xf32, #tpu.memory_space<vmem>>
    %dma_start3A_61 = arith.constant 0 : i32
    %dma_start3A_62 = tpu.memref_slice %arg5[%dma_start3A_54, %dma_start3A_61] : memref<128x50xi32, #tpu.memory_space<vmem>> -> memref<1x50xi32, #tpu.memory_space<vmem>>
    %dma_start3A_63 = tpu.memref_squeeze %dma_start3A_62 : memref<1x50xi32, #tpu.memory_space<vmem>> -> memref<50xi32, #tpu.memory_space<vmem>>
    %dma_start3A_64 = arith.constant 0 : i32
    %dma_start3A_65 = arith.constant 0 : i32
    %dma_start3A_66 = tpu.memref_slice %arg3[%dma_start3A_64, %dma_start3A_65] : memref<100000x128xf32, #tpu.memory_space<hbm>> -> memref<100000x128xf32, #tpu.memory_space<hbm>>
    tpu.enqueue_indirect_dma source(%dma_start3A_66 : memref<100000x128xf32, #tpu.memory_space<hbm>>) target(%dma_start3A_60 : memref<50x128xf32, #tpu.memory_space<vmem>>) offsets(%dma_start3A_63 : memref<50xi32, #tpu.memory_space<vmem>>) semaphore(%arg7 : memref<!tpu.dma_semaphore, #tpu.memory_space<semaphore_mem>>)
    %dma_start3A_67 = arith.constant 5 : i32
    %dma_start3A_68 = arith.constant 2 : i32
    %dma_start3A_69 = arith.constant 1 : i32
    %dma_start3A_70 = arith.constant 0 : i32
    %dma_start3A_71 = arith.constant 0 : i32
    %dma_start3A_72 = tpu.memref_slice %arg6[%dma_start3A_68, %dma_start3A_69, %dma_start3A_70, %dma_start3A_71] : memref<8x2x50x128xf32, #tpu.memory_space<vmem>> -> memref<1x1x50x128xf32, #tpu.memory_space<vmem>>
    %dma_start3A_73 = tpu.memref_squeeze %dma_start3A_72 : memref<1x1x50x128xf32, #tpu.memory_space<vmem>> -> memref<50x128xf32, #tpu.memory_space<vmem>>
    %dma_start3A_74 = arith.constant 0 : i32
    %dma_start3A_75 = tpu.memref_slice %arg5[%dma_start3A_67, %dma_start3A_74] : memref<128x50xi32, #tpu.memory_space<vmem>> -> memref<1x50xi32, #tpu.memory_space<vmem>>
    %dma_start3A_76 = tpu.memref_squeeze %dma_start3A_75 : memref<1x50xi32, #tpu.memory_space<vmem>> -> memref<50xi32, #tpu.memory_space<vmem>>
    %dma_start3A_77 = arith.constant 0 : i32
    %dma_start3A_78 = arith.constant 0 : i32
    %dma_start3A_79 = tpu.memref_slice %arg3[%dma_start3A_77, %dma_start3A_78] : memref<100000x128xf32, #tpu.memory_space<hbm>> -> memref<100000x128xf32, #tpu.memory_space<hbm>>
    tpu.enqueue_indirect_dma source(%dma_start3A_79 : memref<100000x128xf32, #tpu.memory_space<hbm>>) target(%dma_start3A_73 : memref<50x128xf32, #tpu.memory_space<vmem>>) offsets(%dma_start3A_76 : memref<50xi32, #tpu.memory_space<vmem>>) semaphore(%arg7 : memref<!tpu.dma_semaphore, #tpu.memory_space<semaphore_mem>>)
    %dma_start3A_80 = arith.constant 6 : i32
    %dma_start3A_81 = arith.constant 3 : i32
    %dma_start3A_82 = arith.constant 0 : i32
    %dma_start3A_83 = arith.constant 0 : i32
    %dma_start3A_84 = arith.constant 0 : i32
    %dma_start3A_85 = tpu.memref_slice %arg6[%dma_start3A_81, %dma_start3A_82, %dma_start3A_83, %dma_start3A_84] : memref<8x2x50x128xf32, #tpu.memory_space<vmem>> -> memref<1x1x50x128xf32, #tpu.memory_space<vmem>>
    %dma_start3A_86 = tpu.memref_squeeze %dma_start3A_85 : memref<1x1x50x128xf32, #tpu.memory_space<vmem>> -> memref<50x128xf32, #tpu.memory_space<vmem>>
    %dma_start3A_87 = arith.constant 0 : i32
    %dma_start3A_88 = tpu.memref_slice %arg5[%dma_start3A_80, %dma_start3A_87] : memref<128x50xi32, #tpu.memory_space<vmem>> -> memref<1x50xi32, #tpu.memory_space<vmem>>
    %dma_start3A_89 = tpu.memref_squeeze %dma_start3A_88 : memref<1x50xi32, #tpu.memory_space<vmem>> -> memref<50xi32, #tpu.memory_space<vmem>>
    %dma_start3A_90 = arith.constant 0 : i32
    %dma_start3A_91 = arith.constant 0 : i32
    %dma_start3A_92 = tpu.memref_slice %arg3[%dma_start3A_90, %dma_start3A_91] : memref<100000x128xf32, #tpu.memory_space<hbm>> -> memref<100000x128xf32, #tpu.memory_space<hbm>>
    tpu.enqueue_indirect_dma source(%dma_start3A_92 : memref<100000x128xf32, #tpu.memory_space<hbm>>) target(%dma_start3A_86 : memref<50x128xf32, #tpu.memory_space<vmem>>) offsets(%dma_start3A_89 : memref<50xi32, #tpu.memory_space<vmem>>) semaphore(%arg7 : memref<!tpu.dma_semaphore, #tpu.memory_space<semaphore_mem>>)
    %dma_start3A_93 = arith.constant 7 : i32
    %dma_start3A_94 = arith.constant 3 : i32
    %dma_start3A_95 = arith.constant 1 : i32
    %dma_start3A_96 = arith.constant 0 : i32
    %dma_start3A_97 = arith.constant 0 : i32
    %dma_start3A_98 = tpu.memref_slice %arg6[%dma_start3A_94, %dma_start3A_95, %dma_start3A_96, %dma_start3A_97] : memref<8x2x50x128xf32, #tpu.memory_space<vmem>> -> memref<1x1x50x128xf32, #tpu.memory_space<vmem>>
    %dma_start3A_99 = tpu.memref_squeeze %dma_start3A_98 : memref<1x1x50x128xf32, #tpu.memory_space<vmem>> -> memref<50x128xf32, #tpu.memory_space<vmem>>
    %dma_start3A_100 = arith.constant 0 : i32
    %dma_start3A_101 = tpu.memref_slice %arg5[%dma_start3A_93, %dma_start3A_100] : memref<128x50xi32, #tpu.memory_space<vmem>> -> memref<1x50xi32, #tpu.memory_space<vmem>>
    %dma_start3A_102 = tpu.memref_squeeze %dma_start3A_101 : memref<1x50xi32, #tpu.memory_space<vmem>> -> memref<50xi32, #tpu.memory_space<vmem>>
    %dma_start3A_103 = arith.constant 0 : i32
    %dma_start3A_104 = arith.constant 0 : i32
    %dma_start3A_105 = tpu.memref_slice %arg3[%dma_start3A_103, %dma_start3A_104] : memref<100000x128xf32, #tpu.memory_space<hbm>> -> memref<100000x128xf32, #tpu.memory_space<hbm>>
    tpu.enqueue_indirect_dma source(%dma_start3A_105 : memref<100000x128xf32, #tpu.memory_space<hbm>>) target(%dma_start3A_99 : memref<50x128xf32, #tpu.memory_space<vmem>>) offsets(%dma_start3A_102 : memref<50xi32, #tpu.memory_space<vmem>>) semaphore(%arg7 : memref<!tpu.dma_semaphore, #tpu.memory_space<semaphore_mem>>)
    %scan3A = arith.constant 0 : i32
    %scan3A_106 = arith.constant 0 : i32
    %scan3A_107 = arith.constant 64 : i32
    %scan3A_108 = arith.addi %scan3A_106, %scan3A_107 : i32
    %scan3A_109 = arith.constant 1 : i32
    scf.for %scan3A_186 = %scan3A_106 to %scan3A_108 step %scan3A_109  : i32 {
      %jit3A = arith.constant 8 : i32
      %eq3A = arith.constant 0 : i32
      %eq3A_187 = arith.cmpi eq, %jit3A, %eq3A : i32
      %jit3A_188 = arith.constant 1 : i32
      %select_n3A = arith.select %eq3A_187, %jit3A_188, %jit3A : i32
      %rem3A = arith.remsi %scan3A_186, %select_n3A : i32
      %ne3A = arith.constant 0 : i32
      %ne3A_189 = arith.cmpi ne, %rem3A, %ne3A : i32
      %lt3A = arith.constant 0 : i32
      %lt3A_190 = arith.cmpi slt, %rem3A, %lt3A : i32
      %lt3A_191 = arith.constant 0 : i32
      %lt3A_192 = arith.cmpi slt, %select_n3A, %lt3A_191 : i32
      %ne3A_193 = arith.xori %lt3A_190, %lt3A_192 : i1
      %and3A = arith.andi %ne3A_193, %ne3A_189 : i1
      %add3A_194 = arith.addi %rem3A, %select_n3A : i32
      %select_n3A_195 = arith.select %and3A, %add3A_194, %rem3A : i32
      %dma_wait3A_196 = arith.constant 0 : i32
      %dma_wait3A_197 = arith.constant 0 : i32
      %dma_wait3A_198 = arith.constant 0 : i32
      %dma_wait3A_199 = tpu.memref_slice %arg6[%select_n3A_195, %dma_wait3A_196, %dma_wait3A_197, %dma_wait3A_198] : memref<8x2x50x128xf32, #tpu.memory_space<vmem>> -> memref<1x2x50x128xf32, #tpu.memory_space<vmem>>
      %dma_wait3A_200 = tpu.memref_squeeze %dma_wait3A_199 : memref<1x2x50x128xf32, #tpu.memory_space<vmem>> -> memref<2x50x128xf32, #tpu.memory_space<vmem>>
      %dma_wait3A_201 = arith.constant 0 : i32
      %dma_wait3A_202 = arith.constant 0 : i32
      %dma_wait3A_203 = arith.constant 0 : i32
      %dma_wait3A_204 = tpu.memref_slice %arg4[%dma_wait3A_201, %dma_wait3A_202, %dma_wait3A_203] : memref<4096x50x128xf32, #tpu.memory_space<hbm>> -> memref<2x50x128xf32, #tpu.memory_space<hbm>>
      %dma_wait3A_205 = arith.constant 0 : i32
      %dma_wait3A_206 = arith.constant 0 : i32
      %dma_wait3A_207 = arith.constant 0 : i32
      %dma_wait3A_208 = tpu.memref_slice %arg6[%select_n3A_195, %dma_wait3A_205, %dma_wait3A_206, %dma_wait3A_207] : memref<8x2x50x128xf32, #tpu.memory_space<vmem>> -> memref<1x2x50x128xf32, #tpu.memory_space<vmem>>
      %dma_wait3A_209 = tpu.memref_squeeze %dma_wait3A_208 : memref<1x2x50x128xf32, #tpu.memory_space<vmem>> -> memref<2x50x128xf32, #tpu.memory_space<vmem>>
      %dma_wait3A_210 = arith.constant 0 : i32
      %dma_wait3A_211 = arith.constant 0 : i32
      %dma_wait3A_212 = arith.constant 0 : i32
      %dma_wait3A_213 = tpu.memref_slice %arg4[%dma_wait3A_210, %dma_wait3A_211, %dma_wait3A_212] : memref<4096x50x128xf32, #tpu.memory_space<hbm>> -> memref<2x50x128xf32, #tpu.memory_space<hbm>>
      tpu.wait_dma2 semaphore(%arg7 : memref<!tpu.dma_semaphore, #tpu.memory_space<semaphore_mem>>) src(%dma_wait3A_213 : memref<2x50x128xf32, #tpu.memory_space<hbm>>) dst(%dma_wait3A_209 : memref<2x50x128xf32, #tpu.memory_space<vmem>>)
      %jit3A_214 = arith.constant 8 : i32
      %eq3A_215 = arith.constant 0 : i32
      %eq3A_216 = arith.cmpi eq, %jit3A_214, %eq3A_215 : i32
      %jit3A_217 = arith.constant 1 : i32
      %select_n3A_218 = arith.select %eq3A_216, %jit3A_217, %jit3A_214 : i32
      %rem3A_219 = arith.remsi %scan3A_186, %select_n3A_218 : i32
      %ne3A_220 = arith.constant 0 : i32
      %ne3A_221 = arith.cmpi ne, %rem3A_219, %ne3A_220 : i32
      %lt3A_222 = arith.constant 0 : i32
      %lt3A_223 = arith.cmpi slt, %rem3A_219, %lt3A_222 : i32
      %lt3A_224 = arith.constant 0 : i32
      %lt3A_225 = arith.cmpi slt, %select_n3A_218, %lt3A_224 : i32
      %ne3A_226 = arith.xori %lt3A_223, %lt3A_225 : i1
      %and3A_227 = arith.andi %ne3A_226, %ne3A_221 : i1
      %add3A_228 = arith.addi %rem3A_219, %select_n3A_218 : i32
      %select_n3A_229 = arith.select %and3A_227, %add3A_228, %rem3A_219 : i32
      %mul3A_230 = arith.constant 2 : i32
      %mul3A_231 = arith.muli %scan3A_186, %mul3A_230 : i32
      %add3A_232 = arith.addi %mul3A_2, %mul3A_231 : i32
      %dma_start3A_233 = arith.constant 0 : i32
      %dma_start3A_234 = arith.constant 0 : i32
      %dma_start3A_235 = arith.constant 0 : i32
      %dma_start3A_236 = tpu.memref_slice %arg6[%select_n3A_229, %dma_start3A_233, %dma_start3A_234, %dma_start3A_235] : memref<8x2x50x128xf32, #tpu.memory_space<vmem>> -> memref<1x2x50x128xf32, #tpu.memory_space<vmem>>
      %dma_start3A_237 = tpu.memref_squeeze %dma_start3A_236 : memref<1x2x50x128xf32, #tpu.memory_space<vmem>> -> memref<2x50x128xf32, #tpu.memory_space<vmem>>
      %dma_start3A_238 = arith.constant 0 : i32
      %dma_start3A_239 = arith.constant 0 : i32
      %dma_start3A_240 = tpu.memref_slice %arg4[%add3A_232, %dma_start3A_238, %dma_start3A_239] : memref<4096x50x128xf32, #tpu.memory_space<hbm>> -> memref<2x50x128xf32, #tpu.memory_space<hbm>>
      %dma_start3A_241 = arith.constant 0 : i32
      %dma_start3A_242 = arith.constant 0 : i32
      %dma_start3A_243 = tpu.memref_slice %arg4[%add3A_232, %dma_start3A_241, %dma_start3A_242] : memref<4096x50x128xf32, #tpu.memory_space<hbm>> -> memref<2x50x128xf32, #tpu.memory_space<hbm>>
      %dma_start3A_244 = arith.constant 0 : i32
      %dma_start3A_245 = arith.constant 0 : i32
      %dma_start3A_246 = arith.constant 0 : i32
      %dma_start3A_247 = tpu.memref_slice %arg6[%select_n3A_229, %dma_start3A_244, %dma_start3A_245, %dma_start3A_246] : memref<8x2x50x128xf32, #tpu.memory_space<vmem>> -> memref<1x2x50x128xf32, #tpu.memory_space<vmem>>
      %dma_start3A_248 = tpu.memref_squeeze %dma_start3A_247 : memref<1x2x50x128xf32, #tpu.memory_space<vmem>> -> memref<2x50x128xf32, #tpu.memory_space<vmem>>
      tpu.enqueue_dma source(%dma_start3A_248 : memref<2x50x128xf32, #tpu.memory_space<vmem>>) target(%dma_start3A_243 : memref<2x50x128xf32, #tpu.memory_space<hbm>>) target_semaphore(%arg8 : memref<!tpu.dma_semaphore, #tpu.memory_space<semaphore_mem>>)
      %ge3A = arith.constant 4 : i32
      %ge3A_249 = arith.cmpi sge, %scan3A_186, %ge3A : i32
      %convert_element_type3A = arith.extui %ge3A_249 : i1 to i32
      %cond3A = arith.constant 0 : i32
      %cond3A_250 = arith.cmpi ne, %convert_element_type3A, %cond3A : i32
      scf.if %cond3A_250 {
        %sub3A = arith.constant 4 : i32
        %sub3A_256 = arith.subi %scan3A_186, %sub3A : i32
        %jit3A_257 = arith.constant 8 : i32
        %eq3A_258 = arith.constant 0 : i32
        %eq3A_259 = arith.cmpi eq, %jit3A_257, %eq3A_258 : i32
        %jit3A_260 = arith.constant 1 : i32
        %select_n3A_261 = arith.select %eq3A_259, %jit3A_260, %jit3A_257 : i32
        %rem3A_262 = arith.remsi %sub3A_256, %select_n3A_261 : i32
        %ne3A_263 = arith.constant 0 : i32
        %ne3A_264 = arith.cmpi ne, %rem3A_262, %ne3A_263 : i32
        %lt3A_265 = arith.constant 0 : i32
        %lt3A_266 = arith.cmpi slt, %rem3A_262, %lt3A_265 : i32
        %lt3A_267 = arith.constant 0 : i32
        %lt3A_268 = arith.cmpi slt, %select_n3A_261, %lt3A_267 : i32
        %ne3A_269 = arith.xori %lt3A_266, %lt3A_268 : i1
        %and3A_270 = arith.andi %ne3A_269, %ne3A_264 : i1
        %add3A_271 = arith.addi %rem3A_262, %select_n3A_261 : i32
        %select_n3A_272 = arith.select %and3A_270, %add3A_271, %rem3A_262 : i32
        %mul3A_273 = arith.constant 2 : i32
        %mul3A_274 = arith.muli %sub3A_256, %mul3A_273 : i32
        %add3A_275 = arith.addi %mul3A_2, %mul3A_274 : i32
        %dma_wait3A_276 = arith.constant 0 : i32
        %dma_wait3A_277 = arith.constant 0 : i32
        %dma_wait3A_278 = arith.constant 0 : i32
        %dma_wait3A_279 = tpu.memref_slice %arg6[%select_n3A_272, %dma_wait3A_276, %dma_wait3A_277, %dma_wait3A_278] : memref<8x2x50x128xf32, #tpu.memory_space<vmem>> -> memref<1x2x50x128xf32, #tpu.memory_space<vmem>>
        %dma_wait3A_280 = tpu.memref_squeeze %dma_wait3A_279 : memref<1x2x50x128xf32, #tpu.memory_space<vmem>> -> memref<2x50x128xf32, #tpu.memory_space<vmem>>
        %dma_wait3A_281 = arith.constant 0 : i32
        %dma_wait3A_282 = arith.constant 0 : i32
        %dma_wait3A_283 = tpu.memref_slice %arg4[%add3A_275, %dma_wait3A_281, %dma_wait3A_282] : memref<4096x50x128xf32, #tpu.memory_space<hbm>> -> memref<2x50x128xf32, #tpu.memory_space<hbm>>
        %dma_wait3A_284 = arith.constant 0 : i32
        %dma_wait3A_285 = arith.constant 0 : i32
        %dma_wait3A_286 = tpu.memref_slice %arg4[%add3A_275, %dma_wait3A_284, %dma_wait3A_285] : memref<4096x50x128xf32, #tpu.memory_space<hbm>> -> memref<2x50x128xf32, #tpu.memory_space<hbm>>
        %dma_wait3A_287 = arith.constant 0 : i32
        %dma_wait3A_288 = arith.constant 0 : i32
        %dma_wait3A_289 = arith.constant 0 : i32
        %dma_wait3A_290 = tpu.memref_slice %arg6[%select_n3A_272, %dma_wait3A_287, %dma_wait3A_288, %dma_wait3A_289] : memref<8x2x50x128xf32, #tpu.memory_space<vmem>> -> memref<1x2x50x128xf32, #tpu.memory_space<vmem>>
        %dma_wait3A_291 = tpu.memref_squeeze %dma_wait3A_290 : memref<1x2x50x128xf32, #tpu.memory_space<vmem>> -> memref<2x50x128xf32, #tpu.memory_space<vmem>>
        tpu.wait_dma2 semaphore(%arg8 : memref<!tpu.dma_semaphore, #tpu.memory_space<semaphore_mem>>) src(%dma_wait3A_291 : memref<2x50x128xf32, #tpu.memory_space<vmem>>) dst(%dma_wait3A_286 : memref<2x50x128xf32, #tpu.memory_space<hbm>>)
      } else {
      }
      %lt3A_251 = arith.constant 60 : i32
      %lt3A_252 = arith.cmpi slt, %scan3A_186, %lt3A_251 : i32
      %convert_element_type3A_253 = arith.extui %lt3A_252 : i1 to i32
      %cond3A_254 = arith.constant 0 : i32
      %cond3A_255 = arith.cmpi ne, %convert_element_type3A_253, %cond3A_254 : i32
      scf.if %cond3A_255 {
        %add3A_256 = arith.constant 4 : i32
        %add3A_257 = arith.addi %scan3A_186, %add3A_256 : i32
        %mul3A_258 = arith.constant 2 : i32
        %mul3A_259 = arith.muli %add3A_257, %mul3A_258 : i32
        %add3A_260 = arith.constant 0 : i32
        %add3A_261 = arith.addi %mul3A_259, %add3A_260 : i32
        %jit3A_262 = arith.constant 8 : i32
        %eq3A_263 = arith.constant 0 : i32
        %eq3A_264 = arith.cmpi eq, %jit3A_262, %eq3A_263 : i32
        %jit3A_265 = arith.constant 1 : i32
        %select_n3A_266 = arith.select %eq3A_264, %jit3A_265, %jit3A_262 : i32
        %rem3A_267 = arith.remsi %add3A_257, %select_n3A_266 : i32
        %ne3A_268 = arith.constant 0 : i32
        %ne3A_269 = arith.cmpi ne, %rem3A_267, %ne3A_268 : i32
        %lt3A_270 = arith.constant 0 : i32
        %lt3A_271 = arith.cmpi slt, %rem3A_267, %lt3A_270 : i32
        %lt3A_272 = arith.constant 0 : i32
        %lt3A_273 = arith.cmpi slt, %select_n3A_266, %lt3A_272 : i32
        %ne3A_274 = arith.xori %lt3A_271, %lt3A_273 : i1
        %and3A_275 = arith.andi %ne3A_274, %ne3A_269 : i1
        %add3A_276 = arith.addi %rem3A_267, %select_n3A_266 : i32
        %select_n3A_277 = arith.select %and3A_275, %add3A_276, %rem3A_267 : i32
        %mul3A_278 = arith.constant 2 : i32
        %mul3A_279 = arith.muli %add3A_257, %mul3A_278 : i32
        %add3A_280 = arith.constant 1 : i32
        %add3A_281 = arith.addi %mul3A_279, %add3A_280 : i32
        %jit3A_282 = arith.constant 8 : i32
        %eq3A_283 = arith.constant 0 : i32
        %eq3A_284 = arith.cmpi eq, %jit3A_282, %eq3A_283 : i32
        %jit3A_285 = arith.constant 1 : i32
        %select_n3A_286 = arith.select %eq3A_284, %jit3A_285, %jit3A_282 : i32
        %rem3A_287 = arith.remsi %add3A_257, %select_n3A_286 : i32
        %ne3A_288 = arith.constant 0 : i32
        %ne3A_289 = arith.cmpi ne, %rem3A_287, %ne3A_288 : i32
        %lt3A_290 = arith.constant 0 : i32
        %lt3A_291 = arith.cmpi slt, %rem3A_287, %lt3A_290 : i32
        %lt3A_292 = arith.constant 0 : i32
        %lt3A_293 = arith.cmpi slt, %select_n3A_286, %lt3A_292 : i32
        %ne3A_294 = arith.xori %lt3A_291, %lt3A_293 : i1
        %and3A_295 = arith.andi %ne3A_294, %ne3A_289 : i1
        %add3A_296 = arith.addi %rem3A_287, %select_n3A_286 : i32
        %select_n3A_297 = arith.select %and3A_295, %add3A_296, %rem3A_287 : i32
        %dma_start3A_298 = arith.constant 0 : i32
        %dma_start3A_299 = arith.constant 0 : i32
        %dma_start3A_300 = arith.constant 0 : i32
        %dma_start3A_301 = tpu.memref_slice %arg6[%select_n3A_277, %dma_start3A_298, %dma_start3A_299, %dma_start3A_300] : memref<8x2x50x128xf32, #tpu.memory_space<vmem>> -> memref<1x1x50x128xf32, #tpu.memory_space<vmem>>
        %dma_start3A_302 = tpu.memref_squeeze %dma_start3A_301 : memref<1x1x50x128xf32, #tpu.memory_space<vmem>> -> memref<50x128xf32, #tpu.memory_space<vmem>>
        %dma_start3A_303 = arith.constant 0 : i32
        %dma_start3A_304 = tpu.memref_slice %arg5[%add3A_261, %dma_start3A_303] : memref<128x50xi32, #tpu.memory_space<vmem>> -> memref<1x50xi32, #tpu.memory_space<vmem>>
        %dma_start3A_305 = tpu.memref_squeeze %dma_start3A_304 : memref<1x50xi32, #tpu.memory_space<vmem>> -> memref<50xi32, #tpu.memory_space<vmem>>
        %dma_start3A_306 = arith.constant 0 : i32
        %dma_start3A_307 = arith.constant 0 : i32
        %dma_start3A_308 = tpu.memref_slice %arg3[%dma_start3A_306, %dma_start3A_307] : memref<100000x128xf32, #tpu.memory_space<hbm>> -> memref<100000x128xf32, #tpu.memory_space<hbm>>
        tpu.enqueue_indirect_dma source(%dma_start3A_308 : memref<100000x128xf32, #tpu.memory_space<hbm>>) target(%dma_start3A_302 : memref<50x128xf32, #tpu.memory_space<vmem>>) offsets(%dma_start3A_305 : memref<50xi32, #tpu.memory_space<vmem>>) semaphore(%arg7 : memref<!tpu.dma_semaphore, #tpu.memory_space<semaphore_mem>>)
        %dma_start3A_309 = arith.constant 1 : i32
        %dma_start3A_310 = arith.constant 0 : i32
        %dma_start3A_311 = arith.constant 0 : i32
        %dma_start3A_312 = tpu.memref_slice %arg6[%select_n3A_297, %dma_start3A_309, %dma_start3A_310, %dma_start3A_311] : memref<8x2x50x128xf32, #tpu.memory_space<vmem>> -> memref<1x1x50x128xf32, #tpu.memory_space<vmem>>
        %dma_start3A_313 = tpu.memref_squeeze %dma_start3A_312 : memref<1x1x50x128xf32, #tpu.memory_space<vmem>> -> memref<50x128xf32, #tpu.memory_space<vmem>>
        %dma_start3A_314 = arith.constant 0 : i32
        %dma_start3A_315 = tpu.memref_slice %arg5[%add3A_281, %dma_start3A_314] : memref<128x50xi32, #tpu.memory_space<vmem>> -> memref<1x50xi32, #tpu.memory_space<vmem>>
        %dma_start3A_316 = tpu.memref_squeeze %dma_start3A_315 : memref<1x50xi32, #tpu.memory_space<vmem>> -> memref<50xi32, #tpu.memory_space<vmem>>
        %dma_start3A_317 = arith.constant 0 : i32
        %dma_start3A_318 = arith.constant 0 : i32
        %dma_start3A_319 = tpu.memref_slice %arg3[%dma_start3A_317, %dma_start3A_318] : memref<100000x128xf32, #tpu.memory_space<hbm>> -> memref<100000x128xf32, #tpu.memory_space<hbm>>
        tpu.enqueue_indirect_dma source(%dma_start3A_319 : memref<100000x128xf32, #tpu.memory_space<hbm>>) target(%dma_start3A_313 : memref<50x128xf32, #tpu.memory_space<vmem>>) offsets(%dma_start3A_316 : memref<50xi32, #tpu.memory_space<vmem>>) semaphore(%arg7 : memref<!tpu.dma_semaphore, #tpu.memory_space<semaphore_mem>>)
      } else {
      }
    }
    %scan3A_110 = arith.constant 64 : i32
    %add3A_111 = arith.constant 120 : i32
    %add3A_112 = arith.addi %mul3A_2, %add3A_111 : i32
    %dma_wait3A = arith.constant 4 : i32
    %dma_wait3A_113 = arith.constant 0 : i32
    %dma_wait3A_114 = arith.constant 0 : i32
    %dma_wait3A_115 = arith.constant 0 : i32
    %dma_wait3A_116 = tpu.memref_slice %arg6[%dma_wait3A, %dma_wait3A_113, %dma_wait3A_114, %dma_wait3A_115] : memref<8x2x50x128xf32, #tpu.memory_space<vmem>> -> memref<1x2x50x128xf32, #tpu.memory_space<vmem>>
    %dma_wait3A_117 = tpu.memref_squeeze %dma_wait3A_116 : memref<1x2x50x128xf32, #tpu.memory_space<vmem>> -> memref<2x50x128xf32, #tpu.memory_space<vmem>>
    %dma_wait3A_118 = arith.constant 0 : i32
    %dma_wait3A_119 = arith.constant 0 : i32
    %dma_wait3A_120 = tpu.memref_slice %arg4[%add3A_112, %dma_wait3A_118, %dma_wait3A_119] : memref<4096x50x128xf32, #tpu.memory_space<hbm>> -> memref<2x50x128xf32, #tpu.memory_space<hbm>>
    %dma_wait3A_121 = arith.constant 0 : i32
    %dma_wait3A_122 = arith.constant 0 : i32
    %dma_wait3A_123 = tpu.memref_slice %arg4[%add3A_112, %dma_wait3A_121, %dma_wait3A_122] : memref<4096x50x128xf32, #tpu.memory_space<hbm>> -> memref<2x50x128xf32, #tpu.memory_space<hbm>>
    %dma_wait3A_124 = arith.constant 0 : i32
    %dma_wait3A_125 = arith.constant 0 : i32
    %dma_wait3A_126 = arith.constant 0 : i32
    %dma_wait3A_127 = tpu.memref_slice %arg6[%dma_wait3A, %dma_wait3A_124, %dma_wait3A_125, %dma_wait3A_126] : memref<8x2x50x128xf32, #tpu.memory_space<vmem>> -> memref<1x2x50x128xf32, #tpu.memory_space<vmem>>
    %dma_wait3A_128 = tpu.memref_squeeze %dma_wait3A_127 : memref<1x2x50x128xf32, #tpu.memory_space<vmem>> -> memref<2x50x128xf32, #tpu.memory_space<vmem>>
    tpu.wait_dma2 semaphore(%arg8 : memref<!tpu.dma_semaphore, #tpu.memory_space<semaphore_mem>>) src(%dma_wait3A_128 : memref<2x50x128xf32, #tpu.memory_space<vmem>>) dst(%dma_wait3A_123 : memref<2x50x128xf32, #tpu.memory_space<hbm>>)
    %add3A_129 = arith.constant 122 : i32
    %add3A_130 = arith.addi %mul3A_2, %add3A_129 : i32
    %dma_wait3A_131 = arith.constant 5 : i32
    %dma_wait3A_132 = arith.constant 0 : i32
    %dma_wait3A_133 = arith.constant 0 : i32
    %dma_wait3A_134 = arith.constant 0 : i32
    %dma_wait3A_135 = tpu.memref_slice %arg6[%dma_wait3A_131, %dma_wait3A_132, %dma_wait3A_133, %dma_wait3A_134] : memref<8x2x50x128xf32, #tpu.memory_space<vmem>> -> memref<1x2x50x128xf32, #tpu.memory_space<vmem>>
    %dma_wait3A_136 = tpu.memref_squeeze %dma_wait3A_135 : memref<1x2x50x128xf32, #tpu.memory_space<vmem>> -> memref<2x50x128xf32, #tpu.memory_space<vmem>>
    %dma_wait3A_137 = arith.constant 0 : i32
    %dma_wait3A_138 = arith.constant 0 : i32
    %dma_wait3A_139 = tpu.memref_slice %arg4[%add3A_130, %dma_wait3A_137, %dma_wait3A_138] : memref<4096x50x128xf32, #tpu.memory_space<hbm>> -> memref<2x50x128xf32, #tpu.memory_space<hbm>>
    %dma_wait3A_140 = arith.constant 0 : i32
    %dma_wait3A_141 = arith.constant 0 : i32
    %dma_wait3A_142 = tpu.memref_slice %arg4[%add3A_130, %dma_wait3A_140, %dma_wait3A_141] : memref<4096x50x128xf32, #tpu.memory_space<hbm>> -> memref<2x50x128xf32, #tpu.memory_space<hbm>>
    %dma_wait3A_143 = arith.constant 0 : i32
    %dma_wait3A_144 = arith.constant 0 : i32
    %dma_wait3A_145 = arith.constant 0 : i32
    %dma_wait3A_146 = tpu.memref_slice %arg6[%dma_wait3A_131, %dma_wait3A_143, %dma_wait3A_144, %dma_wait3A_145] : memref<8x2x50x128xf32, #tpu.memory_space<vmem>> -> memref<1x2x50x128xf32, #tpu.memory_space<vmem>>
    %dma_wait3A_147 = tpu.memref_squeeze %dma_wait3A_146 : memref<1x2x50x128xf32, #tpu.memory_space<vmem>> -> memref<2x50x128xf32, #tpu.memory_space<vmem>>
    tpu.wait_dma2 semaphore(%arg8 : memref<!tpu.dma_semaphore, #tpu.memory_space<semaphore_mem>>) src(%dma_wait3A_147 : memref<2x50x128xf32, #tpu.memory_space<vmem>>) dst(%dma_wait3A_142 : memref<2x50x128xf32, #tpu.memory_space<hbm>>)
    %add3A_148 = arith.constant 124 : i32
    %add3A_149 = arith.addi %mul3A_2, %add3A_148 : i32
    %dma_wait3A_150 = arith.constant 6 : i32
    %dma_wait3A_151 = arith.constant 0 : i32
    %dma_wait3A_152 = arith.constant 0 : i32
    %dma_wait3A_153 = arith.constant 0 : i32
    %dma_wait3A_154 = tpu.memref_slice %arg6[%dma_wait3A_150, %dma_wait3A_151, %dma_wait3A_152, %dma_wait3A_153] : memref<8x2x50x128xf32, #tpu.memory_space<vmem>> -> memref<1x2x50x128xf32, #tpu.memory_space<vmem>>
    %dma_wait3A_155 = tpu.memref_squeeze %dma_wait3A_154 : memref<1x2x50x128xf32, #tpu.memory_space<vmem>> -> memref<2x50x128xf32, #tpu.memory_space<vmem>>
    %dma_wait3A_156 = arith.constant 0 : i32
    %dma_wait3A_157 = arith.constant 0 : i32
    %dma_wait3A_158 = tpu.memref_slice %arg4[%add3A_149, %dma_wait3A_156, %dma_wait3A_157] : memref<4096x50x128xf32, #tpu.memory_space<hbm>> -> memref<2x50x128xf32, #tpu.memory_space<hbm>>
    %dma_wait3A_159 = arith.constant 0 : i32
    %dma_wait3A_160 = arith.constant 0 : i32
    %dma_wait3A_161 = tpu.memref_slice %arg4[%add3A_149, %dma_wait3A_159, %dma_wait3A_160] : memref<4096x50x128xf32, #tpu.memory_space<hbm>> -> memref<2x50x128xf32, #tpu.memory_space<hbm>>
    %dma_wait3A_162 = arith.constant 0 : i32
    %dma_wait3A_163 = arith.constant 0 : i32
    %dma_wait3A_164 = arith.constant 0 : i32
    %dma_wait3A_165 = tpu.memref_slice %arg6[%dma_wait3A_150, %dma_wait3A_162, %dma_wait3A_163, %dma_wait3A_164] : memref<8x2x50x128xf32, #tpu.memory_space<vmem>> -> memref<1x2x50x128xf32, #tpu.memory_space<vmem>>
    %dma_wait3A_166 = tpu.memref_squeeze %dma_wait3A_165 : memref<1x2x50x128xf32, #tpu.memory_space<vmem>> -> memref<2x50x128xf32, #tpu.memory_space<vmem>>
    tpu.wait_dma2 semaphore(%arg8 : memref<!tpu.dma_semaphore, #tpu.memory_space<semaphore_mem>>) src(%dma_wait3A_166 : memref<2x50x128xf32, #tpu.memory_space<vmem>>) dst(%dma_wait3A_161 : memref<2x50x128xf32, #tpu.memory_space<hbm>>)
    %add3A_167 = arith.constant 126 : i32
    %add3A_168 = arith.addi %mul3A_2, %add3A_167 : i32
    %dma_wait3A_169 = arith.constant 7 : i32
    %dma_wait3A_170 = arith.constant 0 : i32
    %dma_wait3A_171 = arith.constant 0 : i32
    %dma_wait3A_172 = arith.constant 0 : i32
    %dma_wait3A_173 = tpu.memref_slice %arg6[%dma_wait3A_169, %dma_wait3A_170, %dma_wait3A_171, %dma_wait3A_172] : memref<8x2x50x128xf32, #tpu.memory_space<vmem>> -> memref<1x2x50x128xf32, #tpu.memory_space<vmem>>
    %dma_wait3A_174 = tpu.memref_squeeze %dma_wait3A_173 : memref<1x2x50x128xf32, #tpu.memory_space<vmem>> -> memref<2x50x128xf32, #tpu.memory_space<vmem>>
    %dma_wait3A_175 = arith.constant 0 : i32
    %dma_wait3A_176 = arith.constant 0 : i32
    %dma_wait3A_177 = tpu.memref_slice %arg4[%add3A_168, %dma_wait3A_175, %dma_wait3A_176] : memref<4096x50x128xf32, #tpu.memory_space<hbm>> -> memref<2x50x128xf32, #tpu.memory_space<hbm>>
    %dma_wait3A_178 = arith.constant 0 : i32
    %dma_wait3A_179 = arith.constant 0 : i32
    %dma_wait3A_180 = tpu.memref_slice %arg4[%add3A_168, %dma_wait3A_178, %dma_wait3A_179] : memref<4096x50x128xf32, #tpu.memory_space<hbm>> -> memref<2x50x128xf32, #tpu.memory_space<hbm>>
    %dma_wait3A_181 = arith.constant 0 : i32
    %dma_wait3A_182 = arith.constant 0 : i32
    %dma_wait3A_183 = arith.constant 0 : i32
    %dma_wait3A_184 = tpu.memref_slice %arg6[%dma_wait3A_169, %dma_wait3A_181, %dma_wait3A_182, %dma_wait3A_183] : memref<8x2x50x128xf32, #tpu.memory_space<vmem>> -> memref<1x2x50x128xf32, #tpu.memory_space<vmem>>
    %dma_wait3A_185 = tpu.memref_squeeze %dma_wait3A_184 : memref<1x2x50x128xf32, #tpu.memory_space<vmem>> -> memref<2x50x128xf32, #tpu.memory_space<vmem>>
    tpu.wait_dma2 semaphore(%arg8 : memref<!tpu.dma_semaphore, #tpu.memory_space<semaphore_mem>>) src(%dma_wait3A_185 : memref<2x50x128xf32, #tpu.memory_space<vmem>>) dst(%dma_wait3A_180 : memref<2x50x128xf32, #tpu.memory_space<hbm>>)
    return
  }
}

</mosaic_0001>

<sc_bundles>
// kernel: kernel.3.cloned.1.call-start
scs
__scs_entry_jumppad:
0x0: {  	(pc) =	sbr.rel $0x88, $3  }
0x1: {  	(tag) =	ssettag $0x0;
	lr =	simm.s32 $0x1  }
0x2: {  	[smem:$0x3F9F] =	sst lr;
	_ =	strace $0xD0000000  }
0x3: {  	_ = 	snop  }
0x4: {  	_ = 	snop  }
0x5: {  	_ = 	snop  }
0x6: {  	_ = 	snop  }
0x7: {  	_ = 	snop  }
__scs_overlays_trampoline_lowered:
0x8: {  	[smem:$0x3FAE] =	sst s0  }
0x9: {  	[smem:$0x3FAF] =	sst s1  }
0xa: {  	[smem:$0x3FB0] =	sst s2  }
0xb: {  	[smem:$0x3FB1] =	sst s3  }
0xc: {  	[smem:$0x3FB2] =	sst s4  }
0xd: {  	[smem:$0x3FB3] =	sst s5  }
0xe: {  	[smem:$0x3FB4] =	sst s6  }
0xf: {  	[smem:$0x3FB5] =	sst s7  }
0x10: {  	[smem:$0x3FB6] =	sst s8  }
0x11: {  	[smem:$0x3FB7] =	sst s9;
	s0 =	simm.s32 @!p0 $0x0  }
0x12: {  	s1 =	sld [smem:$0x3F9D];
	s0 =	simm.s32 @p0 $0x1  }
0x13: {  	[smem:$0x3FB8] =	sst s0;
	s0 =	simm.s32 @!p1 $0x0  }
0x14: {  	s2 =	sld [smem:$0x3F9C];
	s0 =	simm.s32 @p1 $0x1  }
0x15: {  	[smem:$0x3FB9] =	sst s0;
	s0 =	simm.s32 @!p2 $0x0  }
0x16: {  	s3 =	sld [smem:$0x3FDB];
	s0 =	simm.s32 @p2 $0x1  }
0x17: {  	s4 =	simm.s32 $0x1BF5;
	[smem:$0x3FBB] =	sst s0  }
0x18: {  	s0 =	sld [smem:$0x3F9E];
	_ =	swait.ge [sflag:s4], $0x0  }
0x19: {  	s7 =	sld [smem:$0x3F9F]  }
0x1a: {  	s8 =	sadd.s32 $0xFFFFE003, lr  }
0x1b: {  	s9 =	sadd.s32 $0xFFFFFEF7, lr;
	s5 =	simm.s32 $0xFFFFFFFF;
	p2 =	slt.u32 s8, $0xFFFFF086  }
0x1c: {  	p1 =	slt.u32 s9, $0xF7A;
	s5 =	simm.s32 @!p2 $0x0  }
0x1d: {  	s5 =	simm.s32 @p1 $0x1;
	p0 =	seq.s32 s7, s2  }
0x1e: {  	s7 =	smul.u32 @!p0 $0xF7A, s2;
	p2 =	seq.s32 @!p0 s5, $0x0  }
0x1f: {  	s9 =	smul.u32 $0xF7A, s1;
	s8 =	simm.s32 @!p0 $0x1BF5;
	p2 =	por !p2, p0  }
0x20: {  	[sflag:s8] =	ssyncset.s32 @!p0 $0xFFFFF086;
	s6 =	sadd.s32 @!p0 s3, s7;
	s7 =	simm.s32 @!p0 $0x108  }
0x21: {  	s3 =	sadd.s32 s3, s9;
	s6 =	sadd.s32 @!p0 $0x88, s6;
	s7 =	simm.s32 @p2 $0x1082  }
0x22: {  	[simem:s7], [sflag:s8] =	dma.local @!p0 [hbm:s6], $0xF7A  }
0x23: {  	s9 =	sor.u32 $0xD0000000, s2;
	s6 =	simm.s32 $0x108;
	_ =	swait.ge @!p0 [sflag:s8], $0x0  }
0x24: {  	s3 =	sadd.s32 $0x88, s3;
	s6 =	simm.s32 @!p1 $0x1082;
	[sflag:s4] =	ssyncset.s32 $0xFFFFF086  }
0x25: {  	[simem:s6], [sflag:s4] =	dma.local [hbm:s3], $0xF7A  }
0x26: {  	[smem:$0x3F9F] =	sst s1;
	(tag) =	ssettag s2;
	_ =	strace s9  }
0x27: {  	s1 =	sld [smem:$0x3FAF]  }
0x28: {  	s2 =	sld [smem:$0x3FB0]  }
0x29: {  	s4 =	sld [smem:$0x3FB2]  }
0x2a: {  	p0 =	seq.s32 s5, $0x0;
	s5 =	sld [smem:$0x3FB3]  }
0x2b: {  	s6 =	sld [smem:$0x3FB4]  }
0x2c: {  	s7 =	sld [smem:$0x3FB5]  }
0x2d: {  	s3 =	simm.s32 $0x108;
	s8 =	sld [smem:$0x3FB6]  }
0x2e: {  	s3 =	simm.s32 @!p0 $0x1082;
	s9 =	sld [smem:$0x3FB7]  }
0x2f: {  	lr =	sadd.s32 s0, s3;
	s0 =	sld [smem:$0x3FAE]  }
0x30: {  	s3 =	sld [smem:$0x3FB1]  }
0x31: {  	[smem:$0x3FBA] =	sst s10  }
0x32: {  	s10 =	sld [smem:$0x3FB8];
	_ =	sdelay $0x3  }
0x33: {  	p0 =	seq.s32 s10, $0x1;
	s10 =	sld [smem:$0x3FBA];
	_ =	sdelay $0x3  }
0x34: {  	[smem:$0x3FBA] =	sst s10  }
0x35: {  	s10 =	sld [smem:$0x3FB9];
	_ =	sdelay $0x3  }
0x36: {  	p1 =	seq.s32 s10, $0x1;
	s10 =	sld [smem:$0x3FBA];
	_ =	sdelay $0x3  }
0x37: {  	[smem:$0x3FBA] =	sst s10  }
0x38: {  	s10 =	sld [smem:$0x3FBB]  }
0x39: {  	_ = 	snop;
	(pc) =	sbr.ind lr, $3  }
0x3a: {  	_ = 	snop  }
0x3b: {  	_ = 	snop  }
0x3c: {  	p2 =	seq.s32 s10, $0x1;
	s10 =	sld [smem:$0x3FBA]  }
0x3d: {  	_ =	shalt  }
0x3e: {  	_ =	shalt  }
0x3f: {  	_ =	shalt  }
0x40: {  	_ =	shalt  }
0x41: {  	_ =	shalt  }
0x42: {  	_ =	shalt  }
0x43: {  	_ =	shalt  }
0x44: {  	_ =	shalt  }
0x45: {  	_ =	shalt  }
0x46: {  	_ =	shalt  }
0x47: {  	_ =	shalt  }
0x48: {  	_ =	shalt  }
0x49: {  	_ =	shalt  }
0x4a: {  	_ =	shalt  }
0x4b: {  	_ =	shalt  }
0x4c: {  	_ =	shalt  }
0x4d: {  	_ =	shalt  }
0x4e: {  	_ =	shalt  }
0x4f: {  	_ =	shalt  }
0x50: {  	_ =	shalt  }
0x51: {  	_ =	shalt  }
0x52: {  	_ =	shalt  }
0x53: {  	_ =	shalt  }
0x54: {  	_ =	shalt  }
0x55: {  	_ =	shalt  }
0x56: {  	_ =	shalt  }
0x57: {  	_ =	shalt  }
0x58: {  	_ =	shalt  }
0x59: {  	_ =	shalt  }
0x5a: {  	_ =	shalt  }
0x5b: {  	_ =	shalt  }
0x5c: {  	_ =	shalt  }
0x5d: {  	_ =	shalt  }
0x5e: {  	_ =	shalt  }
0x5f: {  	_ =	shalt  }
0x60: {  	_ =	shalt  }
0x61: {  	_ =	shalt  }
0x62: {  	_ =	shalt  }
0x63: {  	_ =	shalt  }
0x64: {  	_ =	shalt  }
0x65: {  	_ =	shalt  }
0x66: {  	_ =	shalt  }
0x67: {  	_ =	shalt  }
0x68: {  	_ =	shalt  }
0x69: {  	_ =	shalt  }
0x6a: {  	_ =	shalt  }
0x6b: {  	_ =	shalt  }
0x6c: {  	_ =	shalt  }
0x6d: {  	_ =	shalt  }
0x6e: {  	_ =	shalt  }
0x6f: {  	_ =	shalt  }
0x70: {  	_ =	shalt  }
0x71: {  	_ =	shalt  }
0x72: {  	_ =	shalt  }
0x73: {  	_ =	shalt  }
0x74: {  	_ =	shalt  }
0x75: {  	_ =	shalt  }
0x76: {  	_ =	shalt  }
0x77: {  	_ =	shalt  }
0x78: {  	_ =	shalt  }
0x79: {  	_ =	shalt  }
0x7a: {  	_ =	shalt  }
0x7b: {  	_ =	shalt  }
0x7c: {  	_ =	shalt  }
0x7d: {  	_ =	shalt  }
0x7e: {  	_ =	shalt  }
0x7f: {  	_ =	shalt  }
0x80: {  	_ =	shalt  }
0x81: {  	_ =	shalt  }
0x82: {  	_ =	shalt  }
0x83: {  	_ =	shalt  }
0x84: {  	_ =	shalt  }
0x85: {  	_ =	shalt  }
0x86: {  	_ =	shalt  }
0x87: {  	_ =	shalt  }
.Lfunc_end0:
.L_simem_size_0:
called_computation.1_lowered:
.L_overlay_start_0:
0x88: {  	s2 =	sld [smem:$0x3FD9]  }
0x89: {  	s3 =	sld [smem:$0x3FFE];
	_ =	sdelay $0x1  }
0x8a: {  	s1 =	srdreg.scid  }
0x8b: {  	s0 =	sand.u32 $0x1, s1  }
0x8c: {  	s16 =	sshll.u32 s0, $0xA;
	s2 =	sadd.s32 s3, s2  }
0x8d: {  	s2 =	sadd.s32 s2, s16  }
0x8e: {  	[smem:$0x3FC6] =	sst s2  }
0x8f: {  	_ = 	snop  }
0x90: {  	(tm) =	ssettm $0x1  }
0x91: {  	s17 =	sld [smem:$0x3FFB];
	_ =	sdelay $0x3  }
0x92: {  	_ =	strace s17  }
0x93: {  	s2 =	sld [smem:$0x3FFC];
	_ =	sdelay $0x3  }
0x94: {  	_ =	strace s2  }
0x95: {  	s2 =	sld [smem:$0x3FFD];
	_ =	sdelay $0x3  }
0x96: {  	_ =	strace s2  }
0x97: {  	_ =	strace $0x8FFFFFFF  }
0x98: {  	s18 =	sld [smem:$0x3FDB];
	_ =	sdelay $0x1  }
0x99: {  	s19 =	simm.s32 $_scs_section_size  }
0x9a: {  	s4 =	simm.s32 $_size__tile_overlayer_lowered;
	s5 =	simm.s32 $_tile_overlayer_lowered  }
0x9b: {  	s22 =	simm.s32 $0x1BFF;
	s21 =	sshll.u32 s5, $0x1;
	s2 =	sadd.s32 s19, s18  }
0x9c: {  	s6 =	simm.s32 $0x0;
	s20 =	sshll.u32 s4, $0x1;
	s4 =	sadd.s32 s21, s2  }
0x9d: {  	[timem:s6], [sflag:s22] =	dma.local [hbm:s4], s20  }
0x9e: {  	_ =	swait.ge [sflag:s22], s20  }
0x9f: {  	s3 =	ssub.s32 $0x0, s20;
	[sflag:s22] =	ssyncset.done $0x0  }
0xa0: {  	[sflag:s22] =	ssyncadd.s32 s3;
	_ =	sdelay $0x1  }
0xa1: {  	s23 =	simm.s32 $0x1B8B  }
0xa2: {  	_ =	swait.ge [sflag:s23], $0x1  }
0xa3: {  	[sflag:s23] =	ssyncset.done $0x0  }
0xa4: {  	s25 =	simm.s32 $0x1B8E;
	s24 =	sld [smem:$0x3FFE];
	[sflag:s23] =	ssyncadd.s32 $0xFFFFFFFF  }
0xa5: {  	s26 =	simm.s32 $execute0_lowered;
	[smem:$0x3FD2] =	sst s25  }
0xa6: {  	s4 =	sshll.u32 s26, $0x1;
	_ =	strace $0x80000046;
	[dreg:$0x1] =	wrdreg $0xFFFFFFFF  }
0xa7: {  	s28 =	simm.s32 $_size_execute0_lowered;
	s2 =	sadd.s32 s2, s4;
	[dreg:$0x0] =	wrdreg $0x0  }
0xa8: {  	s4 =	sshll.u32 s28, $0x1;
	[dreg:$0x2] =	wrdreg s2  }
0xa9: {  	[dreg:$0x3] =	wrdreg s4  }
0xaa: {  	[dreg:$0x4] =	wrdreg $0xC0  }
0xab: {  	_ =	task [dreg:s6], $0x5FFFF  }
0xac: {  	[dreg:$0x1] =	wrdreg $0xFFFFFFFF  }
0xad: {  	[dreg:$0x0] =	wrdreg $0x60  }
0xae: {  	[dreg:$0x2] =	wrdreg s24  }
0xaf: {  	[dreg:$0x3] =	wrdreg $0x9  }
0xb0: {  	_ =	task.clear_ibuf [dreg:s6], $0x4FFFF;
	_ =	strace $0x90000046  }
0xb1: {  	s29 =	simm.s32 $0x9;
	_ =	strace $0x80000048  }
0xb2: {  	_ =	swait.ge [sflag:s29], $0x1  }
0xb3: {  	[sflag:s29] =	ssyncadd.s32 $0xFFFFFFFF  }
0xb4: {  	_ =	strace $0x90000048  }
0xb5: {  	_ =	sfence  }
0xb6: {  	s30 =	sld [smem:$0x0];
	_ =	sdelay $0x2  }
0xb7: {  	s31 =	sshll.u32 s1, $0xD;
	s1 =	sshrl.u32 s1, $0x2  }
0xb8: {  	s3 =	sand.u32 $0x4000, s31;
	s1 =	sadd.s32 s1, s30  }
0xb9: {  	s0 =	sor.u32 s3, s0;
	s1 =	sshll.u32 s1, $0x11  }
0xba: {  	s0 =	sor.u32 s1, s0  }
0xbb: {  	s0 =	sadd.s32 $0x8F2B, s0  }
0xbc: {  	[sflag:s0] =	ssyncadd.remote.s32 $0x1  }
0xbd: {  	_ =	sfence.sel $0xFFFF  }
0xbe: {  	[dreg:$0x0] =	wrdreg $0xFFFFFFFF;
	(pc) =	sbr.abs _section_cstart, $3  }
0xbf: {  	[dreg:$0x1] =	wrdreg $0xFFFFFFFF  }
0xc0: {  	_ =	task.clear_ibuf [dreg:s6], $0x2FFFF;
	_ =	strace $0x9FFFFFFF  }
0xc1: {  	(tm) =	ssettm $0x7FFFFFFF  }
tec
execute0_lowered:
.L_overlay_start_1:
0x0: {  	(tag) =	ssettag $0x1  }
0x1: {  	s4 =	rddreg [dreg:$0x0];
	s2 =	simm.s32 $0x0;
	s3 =	srdreg.scid  }
0x2: {  	s0 =	stileid.u32;
	s10 =	simm.s32 $0x80;
	s11 =	simm.s32 $0x5C00  }
0x3: {  	s12 =	simm.s32 $0x100;
	s13 =	simm.s32 $0x7800;
	s14 =	simm.s32 $0x180  }
0x4: {  	s15 =	simm.s32 $0x9400;
	s16 =	simm.s32 $0x200;
	s17 =	simm.s32 $0xB000  }
0x5: {  	s18 =	simm.s32 $0x280;
	s19 =	simm.s32 $0xCC00;
	s20 =	simm.s32 $0x300  }
0x6: {  	s21 =	simm.s32 $0xE800;
	s22 =	simm.s32 $0x380;
	s23 =	simm.s32 $0x10400  }
0x7: {  	s24 =	simm.s32 $0x1;
	s25 =	simm.s32 $0x2;
	s26 =	simm.s32 $0x0  }
0x8: {  	[smem:$0x7FF] =	sst s2;
	s3 =	sand.u32 $0x1, s3;
	s5 =	sshll.u32 s0, $0xC  }
0x9: {  	s31 =	smul.u32 $0x38000, s0;
	_ =	strace $0x80000047;
	s6 =	sshll.u32 s3, $0xB  }
0xa: {  	s7 =	ssub.s32 $0x2, s3;
	s9 =	smul.u32 $0x1C000, s3;
	s3 =	sadd.s32 $0x10800, s4  }
0xb: {  	s5 =	sor.u32 s6, s5;
	s8 =	sshrl.u32 s7, $0x1;
	s6 =	sadd.s32 s31, s4  }
0xc: {  	s5 =	sadd.s32 s5, s4;
	s7 =	ssub.s32 s7, s8;
	s6 =	sadd.s32 s9, s6  }
0xd: {  	s8 =	simm.s32 $0x32;
	s9 =	simm.s32 $0x4000;
	s4 =	sadd.s32 $0x800, s5  }
0xe: {  	s5 =	smax.u32 s7, $0x1;
	s6 =	sadd.s32 $0x197200, s6;
	s7 =	simm.s32 $0x3  }
.LBB2_1:
0xf: {  	[tilespmem:s2], [sflag:$0x3] =	stream.linear.gather [hbm4b:s4+s2], $0x4000, $0x38;
	v63 =	vld [tilespmem:$0x0]  }
0x10: {  	_ =	swait.ge [sflag:s7], $0x4000  }
0x11: {  	[sflag:s7] =	ssyncset.done $0x0  }
0x12: {  	[sflag:s7] =	ssyncadd.s32 $0xFFFFC000  }
0x13: {  	[tilespmem:s9], [sflag:$0x1] =	stream.indirect.gather [hbm4b:s3+s8], $0x80, s2, s8, $0xb8;
	v63 =	vld [tilespmem:$0x0]  }
0x14: {  	_ = 	snop  }
0x15: {  	[tilespmem:s11], [sflag:$0x1] =	stream.indirect.gather [hbm4b:s3+s8], $0x80, s10, s8, $0xb8;
	v63 =	vld [tilespmem:$0x0]  }
0x16: {  	_ = 	snop  }
0x17: {  	[tilespmem:s13], [sflag:$0x1] =	stream.indirect.gather [hbm4b:s3+s8], $0x80, s12, s8, $0xb8;
	v63 =	vld [tilespmem:$0x0]  }
0x18: {  	_ = 	snop  }
0x19: {  	[tilespmem:s15], [sflag:$0x1] =	stream.indirect.gather [hbm4b:s3+s8], $0x80, s14, s8, $0xb8;
	v63 =	vld [tilespmem:$0x0]  }
0x1a: {  	_ = 	snop  }
0x1b: {  	[tilespmem:s17], [sflag:$0x1] =	stream.indirect.gather [hbm4b:s3+s8], $0x80, s16, s8, $0xb8;
	v63 =	vld [tilespmem:$0x0]  }
0x1c: {  	_ = 	snop  }
0x1d: {  	[tilespmem:s19], [sflag:$0x1] =	stream.indirect.gather [hbm4b:s3+s8], $0x80, s18, s8, $0xb8;
	v63 =	vld [tilespmem:$0x0]  }
0x1e: {  	_ = 	snop  }
0x1f: {  	[tilespmem:s21], [sflag:$0x1] =	stream.indirect.gather [hbm4b:s3+s8], $0x80, s20, s8, $0xb8;
	v63 =	vld [tilespmem:$0x0]  }
0x20: {  	s28 =	simm.s32 $0x480;
	s29 =	smov.u32 s6;
	s30 =	simm.s32 $0x0  }
0x21: {  	[tilespmem:s23], [sflag:$0x1] =	stream.indirect.gather [hbm4b:s3+s8], $0x80, s22, s8, $0xb8;
	v63 =	vld [tilespmem:$0x0]  }
.LBB2_2:
0x22: {  	s31 =	sand.u32 $0x7, s30  }
0x23: {  	s31 =	smul.u32 $0xE000, s31  }
0x24: {  	_ =	swait.ge [sflag:s24], $0x3200  }
0x25: {  	[sflag:s24] =	ssyncset.done $0x0;
	s31 =	sshrl.u32 s31, $0x2  }
0x26: {  	[sflag:s24] =	ssyncadd.s32 $0xFFFFCE00;
	s0 =	sadd.s32 $0x4000, s31  }
0x27: {  	[hbm4b:s29+s2] =	stream.linear.scatter [tilespmem:s0], [sflag:$0x2], $0x1900, $0x38;
	v63 =	vld [tilespmem:$0x0]  }
0x28: {  	s1 =	sadd.s32 $0x380, s29;
	p0 =	slt.u32 s30, $0x4;
	s0 =	sadd.s32 $0x5C00, s31  }
0x29: {  	[hbm4b:s1+s2] =	stream.linear.scatter [tilespmem:s0], [sflag:$0x2], $0x1900, $0x38;
	v63 =	vld [tilespmem:$0x0]  }
0x2a: {  	s0 =	simm.s32 @!p0 $0x2  }
0x2b: {  	p1 =	sgt.u32 @!p0 s30, $0x3B;
	_ =	swait.ge @!p0 [sflag:s0], $0x3200  }
0x2c: {  	p1 =	por p0, !p1;
	[sflag:s0] =	ssyncset.done @!p0 $0x0  }
0x2d: {  	[sflag:s0] =	ssyncadd.s32 @!p0 $0xFFFFCE00;
	s0 =	sadd.s32 @p1 $0x4, s30  }
0x2e: {  	s0 =	sand.u32 @p1 $0x7, s0  }
0x2f: {  	s0 =	smul.u32 @p1 $0xE000, s0  }
0x30: {  	s30 =	sadd.s32 $0x1, s30  }
0x31: {  	p0 =	sne.s32 s30, $0x40;
	s0 =	sshrl.u32 @p1 s0, $0x2  }
.Ltmp0:
0x32: {  	s1 =	sadd.s32 @p1 $0xFFFFFF80, s28;
	s31 =	sadd.s32 @p1 $0x4000, s0;
	(pc) =	sbr.rel @p0 .LBB2_2-.Ltmp0, $4  }
0x33: {  	[tilespmem:s31], [sflag:$0x1] =	stream.indirect.gather @p1 [hbm4b:s3+s8], $0x80, s1, s8, $0xb8;
	v63 =	vld [tilespmem:$0x0]  }
0x34: {  	s0 =	sadd.s32 @p1 $0x5C00, s0  }
0x35: {  	[tilespmem:s0], [sflag:$0x1] =	stream.indirect.gather @p1 [hbm4b:s3+s8], $0x80, s28, s8, $0xb8;
	v63 =	vld [tilespmem:$0x0]  }
0x36: {  	s29 =	sadd.s32 $0x700, s29;
	s28 =	sadd.s32 $0x100, s28  }
0x37: {  	_ =	swait.ge [sflag:s25], $0x3200  }
0x38: {  	[sflag:s25] =	ssyncset.done $0x0  }
0x39: {  	[sflag:s25] =	ssyncadd.s32 $0xFFFFCE00  }
0x3a: {  	_ =	swait.ge [sflag:s25], $0x3200  }
0x3b: {  	[sflag:s25] =	ssyncset.done $0x0  }
0x3c: {  	s26 =	sadd.s32 $0x1, s26;
	[sflag:s25] =	ssyncadd.s32 $0xFFFFCE00  }
0x3d: {  	p0 =	sne.s32 s26, s5;
	_ =	swait.ge [sflag:s25], $0x3200  }
.Ltmp1:
0x3e: {  	[sflag:s25] =	ssyncset.done $0x0;
	(pc) =	sbr.rel @p0 .LBB2_1-.Ltmp1, $4  }
0x3f: {  	[sflag:s25] =	ssyncadd.s32 $0xFFFFCE00  }
0x40: {  	_ =	swait.ge [sflag:s25], $0x3200  }
0x41: {  	[sflag:s25] =	ssyncset.done $0x0  }
0x42: {  	[sflag:s25] =	ssyncadd.s32 $0xFFFFCE00  }
0x43: {  	_ =	sfence.sel $0x180000  }
0x44: {  	[bflag:$0x0] =	sbarrier.arrive $0xFFFF  }
0x45: {  	_ =	strace $0x90000047  }
0x46: {  	s0 =	stileid.u32;
	[bflag:$0x2] =	sbarrier.arrive $0xFFFF  }
0x47: {  	p0 =	sne.s32 s0, $0x0;
	s0 =	rddreg [dreg:$0x1]  }
0x48: {  	s0 =	sadd.s32 @!p0 $0x100000, s0  }
0x49: {  	[sflag:s0] =	ssyncadd.tile.s32 @!p0 $0x1;
	_ =	shalt  }
.Lfunc_end2:
_tile_overlayer_lowered:
.L_overlay_start_2:
0x4a: {  	(tag) =	ssettag $0x2  }
0x4b: {  	s0 =	rddreg [dreg:$0x0];
	s2 =	stileid.u32  }
0x4c: {  	s1 =	rddreg [dreg:$0x1];
	p0 =	sne.s32 s2, $0x0  }
0x4d: {  	s3 =	rddreg [dreg:$0x2];
	[bflag:$0x3] =	sbarrier.arrive $0xFFFF;
	s2 =	simm.s32 @!p0 $0x1C03  }
0x4e: {  	[timem:s3], [sflag:s2] =	dma.local @!p0 [hbm:s0], s1  }
0x4f: {  	s0 =	simm.s32 @!p0 $0x3  }
0x50: {  	_ =	swait.ge @!p0 [sflag:s0], s1  }
0x51: {  	s1 =	ssub.s32 @!p0 $0x0, s1;
	[sflag:s0] =	ssyncset.done @!p0 $0x0  }
0x52: {  	[sflag:s0] =	ssyncadd.s32 @!p0 s1  }
0x53: {  	[bflag:$0x3] =	sbarrier.arrive $0xFFFF  }
0x54: {  	_ =	shalt  }

// kernel: sparse-core-data-format-call.cloned.1.call-start
scs
called_computation_lowered:
.L_overlay_start_0:
0x0: {  	s2 =	sld [smem:$0x3FD9]  }
0x1: {  	s3 =	sld [smem:$0x3FFE];
	_ =	sdelay $0x1  }
0x2: {  	s1 =	srdreg.scid  }
0x3: {  	s0 =	sand.u32 $0x1, s1  }
0x4: {  	s18 =	sshll.u32 s0, $0xA;
	s2 =	sadd.s32 s3, s2  }
0x5: {  	s2 =	sadd.s32 s2, s18  }
0x6: {  	[smem:$0x3FC6] =	sst s2  }
0x7: {  	_ = 	snop  }
0x8: {  	s2 =	sld [smem:$0x3FD0];
	(tm) =	ssettm $0x1  }
0x9: {  	s19 =	sld [smem:$0x3FFB];
	_ =	sdelay $0x3  }
0xa: {  	_ =	strace s19  }
0xb: {  	s3 =	sld [smem:$0x3FFC];
	_ =	sdelay $0x3  }
0xc: {  	_ =	strace s3  }
0xd: {  	s3 =	sld [smem:$0x3FFD];
	_ =	sdelay $0x3  }
0xe: {  	_ =	strace s3  }
0xf: {  	_ =	strace $0x8FFFFFFF  }
0x10: {  	s20 =	sld [smem:$0x3FDB];
	_ =	sdelay $0x1  }
0x11: {  	s4 =	simm.s32 $_scs_section_size  }
0x12: {  	s5 =	simm.s32 $_size__tile_overlayer_lowered;
	s6 =	simm.s32 $_tile_overlayer_lowered  }
0x13: {  	s23 =	simm.s32 $0x1BFF;
	s22 =	sshll.u32 s6, $0x1;
	s3 =	sadd.s32 s4, s20  }
0x14: {  	s7 =	simm.s32 $0x0;
	s21 =	sshll.u32 s5, $0x1;
	s5 =	sadd.s32 s22, s3  }
0x15: {  	[timem:s7], [sflag:s23] =	dma.local [hbm:s5], s21  }
0x16: {  	_ =	swait.ge [sflag:s23], s21  }
0x17: {  	s4 =	ssub.s32 $0x0, s21;
	[sflag:s23] =	ssyncset.done $0x0  }
0x18: {  	[sflag:s23] =	ssyncadd.s32 s4;
	_ =	sdelay $0x1  }
0x19: {  	s24 =	simm.s32 $0x1B8B  }
0x1a: {  	_ =	swait.ge [sflag:s24], $0x1  }
0x1b: {  	[sflag:s24] =	ssyncset.done $0x0  }
0x1c: {  	s26 =	simm.s32 $0x1B8E;
	s25 =	sld [smem:$0x3FFE];
	[sflag:s24] =	ssyncadd.s32 $0xFFFFFFFF  }
0x1d: {  	s27 =	simm.s32 $execute0_lowered;
	[smem:$0x3FD2] =	sst s26  }
0x1e: {  	s5 =	sshll.u32 s27, $0x1;
	_ =	strace $0x80000049;
	[dreg:$0x1] =	wrdreg $0xFFFFFFFF  }
0x1f: {  	s28 =	simm.s32 $_size_execute0_lowered;
	s3 =	sadd.s32 s3, s5;
	[dreg:$0x0] =	wrdreg $0x0  }
0x20: {  	s5 =	sshll.u32 s28, $0x1;
	[dreg:$0x2] =	wrdreg s3  }
0x21: {  	[dreg:$0x3] =	wrdreg s5  }
0x22: {  	[dreg:$0x4] =	wrdreg $0xC0  }
0x23: {  	_ =	task [dreg:s7], $0x5FFFF  }
0x24: {  	[dreg:$0x1] =	wrdreg $0xFFFFFFFF  }
0x25: {  	[dreg:$0x0] =	wrdreg $0x60  }
0x26: {  	[dreg:$0x2] =	wrdreg s25  }
0x27: {  	[dreg:$0x3] =	wrdreg s2  }
0x28: {  	[dreg:$0x4] =	wrdreg $0x9  }
0x29: {  	_ =	task.clear_ibuf [dreg:s7], $0x5FFFF;
	_ =	strace $0x90000049  }
0x2a: {  	s29 =	simm.s32 $0x9;
	_ =	strace $0x8000004B  }
0x2b: {  	_ =	swait.ge [sflag:s29], $0x1  }
0x2c: {  	[sflag:s29] =	ssyncadd.s32 $0xFFFFFFFF  }
0x2d: {  	_ =	strace $0x9000004B  }
0x2e: {  	_ =	sfence  }
0x2f: {  	s30 =	sld [smem:$0x0];
	_ =	sdelay $0x2  }
0x30: {  	s31 =	sshll.u32 s1, $0xD;
	s1 =	sshrl.u32 s1, $0x2  }
0x31: {  	s3 =	sand.u32 $0x4000, s31;
	s1 =	sadd.s32 s1, s30  }
0x32: {  	s0 =	sor.u32 s3, s0;
	s1 =	sshll.u32 s1, $0x11  }
0x33: {  	s0 =	sor.u32 s1, s0  }
0x34: {  	s0 =	sadd.s32 $0x8F2B, s0  }
0x35: {  	[sflag:s0] =	ssyncadd.remote.s32 $0x1  }
0x36: {  	_ =	sfence.sel $0xFFFF  }
0x37: {  	[dreg:$0x0] =	wrdreg $0xFFFFFFFF;
	(pc) =	sbr.abs _section_cstart, $3  }
0x38: {  	[dreg:$0x1] =	wrdreg $0xFFFFFFFF  }
0x39: {  	_ =	task.clear_ibuf [dreg:s7], $0x2FFFF;
	_ =	strace $0x9FFFFFFF  }
0x3a: {  	(tm) =	ssettm $0x7FFFFFFF  }
0x3b: {  	_ =	shalt  }
tec
execute0_lowered:
.L_overlay_start_1:
0x0: {  	(tag) =	ssettag $0x1  }
0x1: {  	s0 =	srdreg.scid  }
0x2: {  	s1 =	sshll.u32 s0, $0x4  }
0x3: {  	s0 =	stileid.u32;
	s1 =	sand.u32 $0x10, s1  }
0x4: {  	s1 =	sor.u32 s0, s1  }
0x5: {  	s6 =	rddreg [dreg:$0x0];
	s4 =	simm.s32 $0x1;
	s2 =	sshll.u32 s1, $0x7  }
0x6: {  	s7 =	simm.s32 $0x2;
	s12 =	simm.s32 $0x0;
	s1 =	ssub.s32 $0x1000, s2  }
0x7: {  	s8 =	simm.s32 $0x8000;
	s13 =	simm.s32 $0x0;
	s3 =	sand.u32 $0xF80, s1  }
0x8: {  	s9 =	simm.s32 $0x0;
	s5 =	sshrl.u32 s1, $0xC;
	p0 =	sne.s32 s3, $0x0  }
.Ltmp0:
0x9: {  	s1 =	rddreg [dreg:$0x2];
	s4 =	simm.s32 @!p0 $0x0;
	(pc) =	sbr.rel .LBB1_1-.Ltmp0, $4  }
0xa: {  	s11 =	simm.s32 $0x0;
	s3 =	rddreg [dreg:$0x1];
	s5 =	sadd.s32 s4, s5  }
0xb: {  	_ =	strace $0x8000004A;
	s4 =	simm.s32 $0x1;
	s5 =	smul.u32 $0x32, s5  }
0xc: {  	s6 =	sadd.s32 $0x197200, s6;
	s10 =	smov.u32 s2;
	[sflag:s4] =	ssyncpa.u1 $0x0  }
0xd: {  	p0 =	por $0x0, $0x0;
	[sflag:s7] =	ssyncpa.u1 $0x0;
	s7 =	sor.u32 $0x1, s5  }
.LBB1_4:
0xe: {  	s16 =	sshll.u32 s13, $0x3;
	s17 =	sand.u32 $0x78, s13  }
0xf: {  	s30 =	sand.u32 $0x7E00, s13;
	s12 =	sshll.u32 s12, $0xF;
	s16 =	sand.u32 $0xC00, s16  }
0x10: {  	[tilespmem:s15+$0x810 ss:$0x81] =	vst.msk $0xffff, v2;
	s31 =	sand.u32 $0x7, s13;
	s16 =	sor.u32 s17, s16;
	s17 =	sadd.s32 s3, s30  }
0x11: {  	[tilespmem:s15+$0x1020 ss:$0x81] =	vst.msk $0xffff, v0;
	s13 =	sshll.u32 s31, $0x12;
	s12 =	sadd.s32 s12, s17;
	s16 =	sshrl.u32 s16, $0x3  }
0x12: {  	[tilespmem:s15+$0x0 ss:$0x81] =	vst.msk $0xffff, v1;
	s13 =	sor.u32 $0x400, s13;
	s12 =	sadd.s32 s16, s12  }
0x13: {  	[hbm4b:s12+s13] =	stream.strided.scatter [tilespmem:s14], [sflag:$0x2], $0x2000, s8, s13, $0x20;
	[tilespmem:$0x8080] =	vst v63  }
.LBB1_5:
0x14: {  	s14 =	sadd.s32 $0x1, s9  }
0x15: {  	s12 =	sadd.s32 $0x1000, s10;
	s16 =	smov.u32 s10;
	p2 =	sgt.s32 s14, $0x31  }
0x16: {  	s16 =	smov.u32 @p2 s12  }
0x17: {  	s14 =	simm.s32 @p2 $0x0;
	p2 =	sgt.s32 s16, $0xFFF  }
0x18: {  	s16 =	smov.u32 @p2 s2;
	p2 =	sne.s32 s11, s7  }
.Ltmp1:
0x19: {  	p1 =	slt.u32 s11, $0x2;
	(pc) =	sbr.rel @!p2 .LBB1_6-.Ltmp1, $4  }
0x1a: {  	s15 =	simm.s32 @!p1 $0x2  }
0x1b: {  	s13 =	smov.u32 s10;
	p0 =	por !p0, !p0;
	_ =	swait.ge @!p1 [sflag:s15], $0x2000  }
0x1c: {  	s12 =	smov.u32 s9;
	[sflag:s15] =	ssyncset.done @!p1 $0x0;
	s9 =	smov.u32 s14  }
0x1d: {  	s11 =	sadd.s32 $0x1, s11;
	[sflag:s15] =	ssyncadd.s32 @!p1 $0xFFFFE000;
	s10 =	smov.u32 s16  }
.LBB1_1:
0x1e: {  	p1 =	sge.u32 s11, s5  }
0x1f: {  	s14 =	sand.u32 @!p1 $0x1FFFFFF, s9  }
0x20: {  	s15 =	smulhi.u32 @!p1 $0x4924925, s14;
	_ =	sdelay $0x1  }
0x21: {  	s15 =	smul.u32 @!p1 $0x38, s15  }
0x22: {  	s16 =	sxor.u32 @!p1 $0xFFFFFFFF, s11;
	s17 =	smul.u32 @!p1 $0x380, s10  }
0x23: {  	s31 =	sadd.s32 $0xFFFFFFFF, s11;
	s16 =	sshll.u32 @!p1 s16, $0xD;
	s14 =	ssub.s32 @!p1 s14, s15  }
0x24: {  	s15 =	sand.u32 @!p1 $0x2000, s16;
	s16 =	sadd.s32 @!p1 s6, s17;
	s14 =	sshll.u32 @!p1 s14, $0x4  }
0x25: {  	s17 =	simm.s32 @!p1 $0x1C00;
	s14 =	sadd.s32 @!p1 s14, s16;
	s16 =	simm.s32 @!p1 $0x40  }
0x26: {  	[tilespmem:s15], [sflag:$0x1] =	stream.strided.gather @!p1 [hbm4b:s14+s16], $0x2000, s17, s16, $0x38;
	[tilespmem:$0x8080] =	vst v63  }
0x27: {  	p1 =	sge.u32 s31, s5  }
.Ltmp2:
0x28: {  	_ = 	snop;
	(pc) =	sbr.rel @p1 .LBB1_5-.Ltmp2, $1  }
0x29: {  	_ =	sdelay $0x3  }
0x2a: {  	s14 =	simm.s32 $0x1  }
0x2b: {  	_ =	swait.ge [sflag:s4], $0x2000;
	s14 =	simm.s32 @!p0 $0x0  }
0x2c: {  	[sflag:s4] =	ssyncset.done $0x0;
	s15 =	sshll.u32 s14, $0xD  }
0x2d: {  	[sflag:s4] =	ssyncadd.s32 $0xFFFFE000;
	s18 =	sor.u32 $0x20, s15  }
0x2e: {  	s14 =	smul.u32 $0x8100, s14;
	v3 =	vld [tilespmem:s18+$0x10]  }
0x2f: {  	s30 =	sand.u32 $0x1, s11;
	v2 =	vld [tilespmem:s18+$0xFFFFFFF0]  }
0x30: {  	s15 =	smul.u32 $0x8100, s30;
	s14 =	sshrl.u32 s14, $0x2;
	v0 =	vld [tilespmem:s18+$0x0]  }
0x31: {  	v1 =	vld [tilespmem:s18+$0xFFFFFFE0];
	s16 =	sor.u32 $0x4000, s14  }
0x32: {  	s31 =	sshrl.u32 s15, $0x2;
	s15 =	sadd.s32 $0x0, s16  }
0x33: {  	s17 =	simm.s32 $0x4;
	s18 =	sadd.s32 $0x40, s18;
	s14 =	sor.u32 $0x4000, s31;
	[tilespmem:s15+$0x1830 ss:$0x81] =	vst.msk $0xffff, v3  }
.LBB1_3:
0x34: {  	v3 =	vld [tilespmem:s18+$0x10];
	p1 =	sne.s32 s17, $0x1FC;
	[tilespmem:s15+$0x810 ss:$0x81] =	vst.msk $0xffff, v2;
	s19 =	smov.u32 s17;
	s17 =	sadd.s32 $0x4, s17  }
.Ltmp3:
0x35: {  	v2 =	vld [tilespmem:s18+$0xFFFFFFF0];
	[tilespmem:s15+$0x1020 ss:$0x81] =	vst.msk $0xffff, v0;
	(pc) =	sbr.rel @p1 .LBB1_3-.Ltmp3, $4  }
0x36: {  	v0 =	vld [tilespmem:s18+$0x0];
	[tilespmem:s15+$0x0 ss:$0x81] =	vst.msk $0xffff, v1  }
0x37: {  	s15 =	sshra.s32 s19, $0x2;
	v1 =	vld [tilespmem:s18+$0xFFFFFFE0]  }
0x38: {  	s15 =	sadd.s32 s15, s16  }
0x39: {  	s18 =	sadd.s32 $0x40, s18;
	[tilespmem:s15+$0x1830 ss:$0x81] =	vst.msk $0xffff, v3  }
.Ltmp4:
0x3a: {  	_ = 	snop;
	(pc) =	sbr.rel .LBB1_4-.Ltmp4, $1  }
0x3b: {  	_ =	sdelay $0x3  }
.LBB1_6:
0x3c: {  	_ =	sfence.sel $0x180000  }
0x3d: {  	s2 =	simm.s32 $0x1;
	[bflag:$0x0] =	sbarrier.arrive $0xFFFF  }
0x3e: {  	s31 =	simm.s32 $0x2;
	[sflag:s2] =	ssyncpa.u1 $0x1  }
0x3f: {  	[sflag:s31] =	ssyncpa.u1 $0x1  }
0x40: {  	p0 =	sne.s32 s0, $0x0;
	_ =	strace $0x9000004A  }
0x41: {  	s0 =	sadd.s32 @!p0 $0x100000, s1;
	[bflag:$0x2] =	sbarrier.arrive $0xFFFF  }
0x42: {  	[sflag:s0] =	ssyncadd.tile.s32 @!p0 $0x1;
	_ =	shalt  }
.Lfunc_end1:
_tile_overlayer_lowered:
.L_overlay_start_2:
0x43: {  	(tag) =	ssettag $0x2  }
0x44: {  	s0 =	rddreg [dreg:$0x0];
	s2 =	stileid.u32  }
0x45: {  	s1 =	rddreg [dreg:$0x1];
	p0 =	sne.s32 s2, $0x0  }
0x46: {  	s3 =	rddreg [dreg:$0x2];
	[bflag:$0x3] =	sbarrier.arrive $0xFFFF;
	s2 =	simm.s32 @!p0 $0x1C01  }
0x47: {  	[timem:s3], [sflag:s2] =	dma.local @!p0 [hbm:s0], s1  }
0x48: {  	s0 =	simm.s32 @!p0 $0x1  }
0x49: {  	_ =	swait.ge @!p0 [sflag:s0], s1  }
0x4a: {  	s1 =	ssub.s32 @!p0 $0x0, s1;
	[sflag:s0] =	ssyncset.done @!p0 $0x0  }
0x4b: {  	[sflag:s0] =	ssyncadd.s32 @!p0 s1  }
0x4c: {  	[bflag:$0x3] =	sbarrier.arrive $0xFFFF  }
0x4d: {  	_ =	shalt  }

</sc_bundles>
